<compile_context>
chip_gen: v7x
topology: tpu7x:2x2x1
jax: 0.10.2.dev20260603
libtpu: 0.0.44.dev20260713+nightly
codegen_flags: <defaults>
</compile_context>

<pallas_src>
import functools

import jax
import jax.numpy as jnp
from jax import lax
from jax.experimental import pallas as pl
from jax.experimental.pallas import tpu as pltpu
from jax.experimental.pallas import tpu_sc as plsc

B = 16384
F = 26
V = 100000
D = 18
SLABS = F * D
ROWS = SLABS + 1
NW = 32
CHUNK = 8192


@functools.cache
def _build_sc_gather():
    mesh = plsc.VectorSubcoreMesh(core_axis_name="c", subcore_axis_name="s")

    @functools.partial(
        pl.kernel,
        mesh=mesh,
        compiler_params=pltpu.CompilerParams(needs_layout_passes=False),
        out_type=jax.ShapeDtypeStruct((ROWS * B,), jnp.float32),
        scratch_types=[
            pltpu.VMEM((V,), jnp.float32),
            pltpu.VMEM((B,), jnp.int32),
            pltpu.VMEM((CHUNK,), jnp.float32),
        ],
    )
    def _sc_gather(tab_hbm, idx_hbm, num_hbm, out_hbm, slab_v, idx_v, out_v):
        w = lax.axis_index("s") * 2 + lax.axis_index("c")
        lo = 14 * w + jnp.minimum(w, 20)
        hi = lo + 14 + (w < 20).astype(jnp.int32)

        @pl.when(w == 31)
        def _():
            pltpu.sync_copy(num_hbm, out_hbm.at[pl.ds(SLABS * B, B)])

        def field_body(f, _):
            s0 = f * D

            @pl.when(jnp.logical_and(s0 < hi, s0 + D > lo))
            def _():
                pltpu.sync_copy(idx_hbm.at[pl.ds(f * B, B)], idx_v)

                def d_body(d, _):
                    s = s0 + d

                    @pl.when(jnp.logical_and(s >= lo, s < hi))
                    def _():
                        pltpu.sync_copy(tab_hbm.at[d, f], slab_v)

                        def chunk_body(c, _):
                            @plsc.parallel_loop(0, CHUNK, step=16, unroll=8)
                            def _g(o):
                                iv = idx_v[pl.ds(c * CHUNK + o, 16)]
                                out_v[pl.ds(o, 16)] = plsc.load_gather(
                                    slab_v, [iv])

                            pltpu.sync_copy(
                                out_v,
                                out_hbm.at[pl.ds(s * B + c * CHUNK, CHUNK)])
                            return 0

                        lax.fori_loop(0, B // CHUNK, chunk_body, 0)

                    return 0

                lax.fori_loop(0, D, d_body, 0)

            return 0

        lax.fori_loop(0, F, field_body, 0)

    return _sc_gather


M = 16


def _mlp_body(x_ref, w1_ref, b1_ref, w2_ref, b2_ref, w3_ref, b3t_ref, o_ref):
    x = x_ref[...].reshape(ROWS, M * 128)
    h = lax.dot_general(x, w1_ref[...], (((0,), (0,)), ((), ())),
                        preferred_element_type=jnp.float32)
    h = jnp.maximum(h + b1_ref[...], 0.0)
    h = jnp.dot(h, w2_ref[...], preferred_element_type=jnp.float32)
    h = jnp.maximum(h + b2_ref[...], 0.0)
    o_ref[...] = (lax.dot_general(w3_ref[...], h, (((0,), (1,)), ((), ())),
                                  preferred_element_type=jnp.float32)
                  + b3t_ref[...])


_mlp_call = pl.pallas_call(
    _mlp_body,
    grid=(128 // M,),
    in_specs=[
        pl.BlockSpec((ROWS, M, 128), lambda i: (0, i, 0)),
        pl.BlockSpec((ROWS, 64), lambda i: (0, 0)),
        pl.BlockSpec((1, 64), lambda i: (0, 0)),
        pl.BlockSpec((64, 32), lambda i: (0, 0)),
        pl.BlockSpec((1, 32), lambda i: (0, 0)),
        pl.BlockSpec((32, 3), lambda i: (0, 0)),
        pl.BlockSpec((3, 1), lambda i: (0, 0)),
    ],
    out_specs=pl.BlockSpec((3, M * 128), lambda i: (0, i)),
    out_shape=jax.ShapeDtypeStruct((3, B), jnp.float32),
)


def kernel(numeric, cat_indices, tables, W1, b1, W2, b2, W3, b3):
    tabT = tables.transpose(2, 0, 1)
    idx_fmaj = cat_indices.astype(jnp.int32).T.reshape(-1)
    num1d = numeric.reshape(B)
    flat = _build_sc_gather()(tabT, idx_fmaj, num1d)
    x3 = flat.reshape(ROWS, 128, 128)
    w1x = jnp.concatenate([W1[1:, :], W1[0:1, :]], axis=0)
    out_t = _mlp_call(x3, w1x, b1[None, :], W2, b2[None, :], W3, b3[:, None])
    return out_t.T

# --- scband reference (transcript-rebuilt; emitter-appended) ---
"""Pipeline reference for scband-dnnmodel-51453708206553 (READ-ONLY COPY).

The authoritative reference and input builder live on the scoring server;
editing this copy changes nothing except your own understanding.
"""

import jax, jax.numpy as jnp
import numpy as np

B = 16384
F = 26
V = 100000
D = int(V ** 0.25) + 1  # 18, matches embedding_dim(vocab_size)
H1, H2, OUT = 64, 32, 3
TOTAL_IN = 1 + F * D  # 1 numeric feature + concatenated embeddings


def setup_inputs(seed: int = 0) -> dict:
    key = jax.random.key(seed)
    ks = jax.random.split(key, 10)
    numeric = jax.random.normal(ks[0], (B, 1), dtype=jnp.float32)
    cat_indices = jax.random.randint(ks[1], (B, F), 0, V, dtype=jnp.int64 if jax.config.jax_enable_x64 else jnp.int32)
    tables = jax.random.normal(ks[2], (F, V, D), dtype=jnp.float32) * 0.05
    W1 = jax.random.normal(ks[3], (TOTAL_IN, H1), dtype=jnp.float32) * 0.02
    b1 = jnp.zeros((H1,), dtype=jnp.float32)
    W2 = jax.random.normal(ks[4], (H1, H2), dtype=jnp.float32) * 0.02
    b2 = jnp.zeros((H2,), dtype=jnp.float32)
    W3 = jax.random.normal(ks[5], (H2, OUT), dtype=jnp.float32) * 0.02
    b3 = jnp.zeros((OUT,), dtype=jnp.float32)
    return {"numeric": numeric, "cat_indices": cat_indices, "tables": tables,
            "W1": W1, "b1": b1, "W2": W2, "b2": b2, "W3": W3, "b3": b3}


def reference(numeric, cat_indices, tables, W1, b1, W2, b2, W3, b3):
    # Per-field embedding lookup: tables[f][cat_indices[:, f]]  (nn.Embedding per field)
    g = jax.vmap(lambda t, i: jnp.take(t, i, axis=0))(tables, cat_indices.T)  # [F, B, D]
    emb = jnp.transpose(g, (1, 0, 2)).reshape(numeric.shape[0], F * D)        # Flatten per field + concat
    x = jnp.concatenate([numeric, emb], axis=1)
    h = jax.nn.relu(x @ W1 + b1)
    h = jax.nn.relu(h @ W2 + b2)
    return h @ W3 + b3

if __name__ == "__main__":
    import jax
    _d = setup_inputs()
    print(jax.jit(kernel)(*tuple(_d.values())))

</pallas_src>

<mosaic_0001>
#map = affine_map<(d0, d1) -> (0, 0, 0)>
#map1 = affine_map<(d0, d1) -> (0)>
module attributes {stable_mosaic.version = 14 : i64} {
  func.func @_sc_gather(%arg0: i32, %arg1: i32, %arg2: memref<18x26x100000xf32, #tpu.memory_space<hbm>>, %arg3: memref<425984xi32, #tpu.memory_space<hbm>>, %arg4: memref<16384xf32, #tpu.memory_space<hbm>>, %arg5: memref<7684096xf32, #tpu.memory_space<hbm>>, %arg6: memref<100000xf32, #tpu.memory_space<vmem>>, %arg7: memref<16384xi32, #tpu.memory_space<vmem>>, %arg8: memref<8192xf32, #tpu.memory_space<vmem>>) attributes {dimension_semantics = [#tpu.dimension_semantics<core_parallel>, #tpu.dimension_semantics<subcore_parallel>], iteration_bounds = array<i64: 2, 16>, scalar_prefetch = 0 : i64, scratch_operands = 3 : i64, tpu.core_type = #tpu.core_type<sc_vector_subcore>, window_params = [{transform_indices = #map}, {transform_indices = #map1}, {transform_indices = #map1}, {transform_indices = #map1}]} {
    %mul3A = arith.constant 2 : i32
    %mul3A_0 = arith.muli %arg1, %mul3A : i32
    %add3A = arith.addi %mul3A_0, %arg0 : i32
    %mul3A_1 = arith.constant 14 : i32
    %mul3A_2 = arith.muli %mul3A_1, %add3A : i32
    %min3A = arith.constant 20 : i32
    %min3A_3 = arith.minsi %add3A, %min3A : i32
    %add3A_4 = arith.addi %mul3A_2, %min3A_3 : i32
    %add3A_5 = arith.constant 14 : i32
    %add3A_6 = arith.addi %add3A_4, %add3A_5 : i32
    %lt3A = arith.constant 20 : i32
    %lt3A_7 = arith.cmpi slt, %add3A, %lt3A : i32
    %convert_element_type3A = arith.extui %lt3A_7 : i1 to i32
    %add3A_8 = arith.addi %add3A_6, %convert_element_type3A : i32
    %eq3A = arith.constant 31 : i32
    %eq3A_9 = arith.cmpi eq, %add3A, %eq3A : i32
    %convert_element_type3A_10 = arith.extui %eq3A_9 : i1 to i32
    %cond3A = arith.constant 0 : i32
    %cond3A_11 = arith.cmpi ne, %convert_element_type3A_10, %cond3A : i32
    scf.if %cond3A_11 {
      "tpu.region"() ({
        %run_scoped3A = tpu.sem_alloc : memref<!tpu.dma_semaphore, #tpu.memory_space<semaphore_mem>>
        %dma_start3A = arith.constant 7667712 : i32
        %dma_start3A_18 = tpu.memref_slice %arg5[%dma_start3A] : memref<7684096xf32, #tpu.memory_space<hbm>> -> memref<16384xf32, #tpu.memory_space<hbm>>
        tpu.enqueue_dma source(%arg4 : memref<16384xf32, #tpu.memory_space<hbm>>) target(%dma_start3A_18 : memref<16384xf32, #tpu.memory_space<hbm>>) target_semaphore(%run_scoped3A : memref<!tpu.dma_semaphore, #tpu.memory_space<semaphore_mem>>)
        %dma_wait3A = arith.constant 7667712 : i32
        %dma_wait3A_19 = tpu.memref_slice %arg5[%dma_wait3A] : memref<7684096xf32, #tpu.memory_space<hbm>> -> memref<16384xf32, #tpu.memory_space<hbm>>
        tpu.wait_dma2 semaphore(%run_scoped3A : memref<!tpu.dma_semaphore, #tpu.memory_space<semaphore_mem>>) src(%arg4 : memref<16384xf32, #tpu.memory_space<hbm>>) dst(%dma_wait3A_19 : memref<16384xf32, #tpu.memory_space<hbm>>)
        tpu.yield
      }) : () -> ()
    } else {
    }
    %scan3A = arith.constant 0 : i32
    %scan3A_12 = arith.constant 0 : i32
    %scan3A_13 = arith.constant 26 : i32
    %scan3A_14 = arith.addi %scan3A_12, %scan3A_13 : i32
    %scan3A_15 = arith.constant 1 : i32
    %scan3A_16 = scf.for %scan3A_18 = %scan3A_12 to %scan3A_14 step %scan3A_15 iter_args(%scan3A_19 = %scan3A) -> (i32)  : i32 {
      %mul3A_20 = arith.constant 18 : i32
      %mul3A_21 = arith.muli %scan3A_18, %mul3A_20 : i32
      %lt3A_22 = arith.cmpi slt, %mul3A_21, %add3A_8 : i32
      %add3A_23 = arith.constant 18 : i32
      %add3A_24 = arith.addi %mul3A_21, %add3A_23 : i32
      %gt3A = arith.cmpi sgt, %add3A_24, %add3A_4 : i32
      %and3A = arith.andi %lt3A_22, %gt3A : i1
      %convert_element_type3A_25 = arith.extui %and3A : i1 to i32
      %cond3A_26 = arith.constant 0 : i32
      %cond3A_27 = arith.cmpi ne, %convert_element_type3A_25, %cond3A_26 : i32
      scf.if %cond3A_27 {
        %mul3A_29 = arith.constant 16384 : i32
        %mul3A_30 = arith.muli %scan3A_18, %mul3A_29 : i32
        "tpu.region"() ({
          %run_scoped3A = tpu.sem_alloc : memref<!tpu.dma_semaphore, #tpu.memory_space<semaphore_mem>>
          %dma_start3A = tpu.memref_slice %arg3[%mul3A_30] : memref<425984xi32, #tpu.memory_space<hbm>> -> memref<16384xi32, #tpu.memory_space<hbm>>
          %dma_start3A_38 = tpu.memref_slice %arg3[%mul3A_30] : memref<425984xi32, #tpu.memory_space<hbm>> -> memref<16384xi32, #tpu.memory_space<hbm>>
          tpu.enqueue_dma source(%dma_start3A_38 : memref<16384xi32, #tpu.memory_space<hbm>>) target(%arg7 : memref<16384xi32, #tpu.memory_space<vmem>>) target_semaphore(%run_scoped3A : memref<!tpu.dma_semaphore, #tpu.memory_space<semaphore_mem>>)
          %dma_wait3A = tpu.memref_slice %arg3[%mul3A_30] : memref<425984xi32, #tpu.memory_space<hbm>> -> memref<16384xi32, #tpu.memory_space<hbm>>
          %dma_wait3A_39 = tpu.memref_slice %arg3[%mul3A_30] : memref<425984xi32, #tpu.memory_space<hbm>> -> memref<16384xi32, #tpu.memory_space<hbm>>
          tpu.wait_dma2 semaphore(%run_scoped3A : memref<!tpu.dma_semaphore, #tpu.memory_space<semaphore_mem>>) src(%dma_wait3A_39 : memref<16384xi32, #tpu.memory_space<hbm>>) dst(%arg7 : memref<16384xi32, #tpu.memory_space<vmem>>)
          tpu.yield
        }) : () -> ()
        %scan3A_31 = arith.constant 0 : i32
        %scan3A_32 = arith.constant 0 : i32
        %scan3A_33 = arith.constant 18 : i32
        %scan3A_34 = arith.addi %scan3A_32, %scan3A_33 : i32
        %scan3A_35 = arith.constant 1 : i32
        %scan3A_36 = scf.for %scan3A_38 = %scan3A_32 to %scan3A_34 step %scan3A_35 iter_args(%scan3A_39 = %scan3A_31) -> (i32)  : i32 {
          %add3A_40 = arith.addi %mul3A_21, %scan3A_38 : i32
          %ge3A = arith.cmpi sge, %add3A_40, %add3A_4 : i32
          %lt3A_41 = arith.cmpi slt, %add3A_40, %add3A_8 : i32
          %and3A_42 = arith.andi %ge3A, %lt3A_41 : i1
          %convert_element_type3A_43 = arith.extui %and3A_42 : i1 to i32
          %cond3A_44 = arith.constant 0 : i32
          %cond3A_45 = arith.cmpi ne, %convert_element_type3A_43, %cond3A_44 : i32
          scf.if %cond3A_45 {
            "tpu.region"() ({
              %run_scoped3A = tpu.sem_alloc : memref<!tpu.dma_semaphore, #tpu.memory_space<semaphore_mem>>
              %dma_start3A = arith.constant 0 : i32
              %dma_start3A_54 = tpu.memref_slice %arg2[%scan3A_38, %scan3A_18, %dma_start3A] : memref<18x26x100000xf32, #tpu.memory_space<hbm>> -> memref<1x1x100000xf32, #tpu.memory_space<hbm>>
              %dma_start3A_55 = tpu.memref_squeeze %dma_start3A_54 : memref<1x1x100000xf32, #tpu.memory_space<hbm>> -> memref<100000xf32, #tpu.memory_space<hbm>>
              %dma_start3A_56 = arith.constant 0 : i32
              %dma_start3A_57 = tpu.memref_slice %arg2[%scan3A_38, %scan3A_18, %dma_start3A_56] : memref<18x26x100000xf32, #tpu.memory_space<hbm>> -> memref<1x1x100000xf32, #tpu.memory_space<hbm>>
              %dma_start3A_58 = tpu.memref_squeeze %dma_start3A_57 : memref<1x1x100000xf32, #tpu.memory_space<hbm>> -> memref<100000xf32, #tpu.memory_space<hbm>>
              tpu.enqueue_dma source(%dma_start3A_58 : memref<100000xf32, #tpu.memory_space<hbm>>) target(%arg6 : memref<100000xf32, #tpu.memory_space<vmem>>) target_semaphore(%run_scoped3A : memref<!tpu.dma_semaphore, #tpu.memory_space<semaphore_mem>>)
              %dma_wait3A = arith.constant 0 : i32
              %dma_wait3A_59 = tpu.memref_slice %arg2[%scan3A_38, %scan3A_18, %dma_wait3A] : memref<18x26x100000xf32, #tpu.memory_space<hbm>> -> memref<1x1x100000xf32, #tpu.memory_space<hbm>>
              %dma_wait3A_60 = tpu.memref_squeeze %dma_wait3A_59 : memref<1x1x100000xf32, #tpu.memory_space<hbm>> -> memref<100000xf32, #tpu.memory_space<hbm>>
              %dma_wait3A_61 = arith.constant 0 : i32
              %dma_wait3A_62 = tpu.memref_slice %arg2[%scan3A_38, %scan3A_18, %dma_wait3A_61] : memref<18x26x100000xf32, #tpu.memory_space<hbm>> -> memref<1x1x100000xf32, #tpu.memory_space<hbm>>
              %dma_wait3A_63 = tpu.memref_squeeze %dma_wait3A_62 : memref<1x1x100000xf32, #tpu.memory_space<hbm>> -> memref<100000xf32, #tpu.memory_space<hbm>>
              tpu.wait_dma2 semaphore(%run_scoped3A : memref<!tpu.dma_semaphore, #tpu.memory_space<semaphore_mem>>) src(%dma_wait3A_63 : memref<100000xf32, #tpu.memory_space<hbm>>) dst(%arg6 : memref<100000xf32, #tpu.memory_space<vmem>>)
              tpu.yield
            }) : () -> ()
            %scan3A_47 = arith.constant 0 : i32
            %scan3A_48 = arith.constant 0 : i32
            %scan3A_49 = arith.constant 2 : i32
            %scan3A_50 = arith.addi %scan3A_48, %scan3A_49 : i32
            %scan3A_51 = arith.constant 1 : i32
            %scan3A_52 = scf.for %scan3A_54 = %scan3A_48 to %scan3A_50 step %scan3A_51 iter_args(%scan3A_55 = %scan3A_47) -> (i32)  : i32 {
              %parallel_loop3A = arith.constant 0 : i32
              %parallel_loop3A_56 = arith.constant 8192 : i32
              %parallel_loop3A_57 = arith.constant 16 : i32
              scf.for %parallel_loop3A_64 = %parallel_loop3A to %parallel_loop3A_56 step %parallel_loop3A_57  : i32 {
                %parallel_loop3A_65 = arith.constant 8192 : i32
                %parallel_loop3A_66 = arith.muli %scan3A_54, %parallel_loop3A_65 : i32
                %parallel_loop3A_67 = arith.addi %parallel_loop3A_66, %parallel_loop3A_64 : i32
                %parallel_loop3A_68 = arith.index_cast %parallel_loop3A_67 : i32 to index
                %parallel_loop3A_69 = tpu.vector_load %arg7[%parallel_loop3A_68] {strides = array<i32>} : memref<16384xi32, #tpu.memory_space<vmem>>, vector<16xi32>,
                %parallel_loop3A_70 = tpu.vector_load_idx %arg6[%parallel_loop3A_69] : memref<100000xf32, #tpu.memory_space<vmem>>[vector<16xi32>], vector<16xf32>,
                %parallel_loop3A_71 = arith.index_cast %parallel_loop3A_64 : i32 to index
                %parallel_loop3A_72 = tpu.vector_load %arg8[%parallel_loop3A_71] {strides = array<i32>} : memref<8192xf32, #tpu.memory_space<vmem>>, vector<16xf32>,
                tpu.vector_store %arg8[%parallel_loop3A_71], %parallel_loop3A_70 {strides = array<i32>} : memref<8192xf32, #tpu.memory_space<vmem>>, vector<16xf32>,
              } {sc.loop_unroll_factor = 8 : i64, sc.parallel_access}
              %mul3A_58 = arith.constant 16384 : i32
              %mul3A_59 = arith.muli %add3A_40, %mul3A_58 : i32
              %mul3A_60 = arith.constant 8192 : i32
              %mul3A_61 = arith.muli %scan3A_54, %mul3A_60 : i32
              %add3A_62 = arith.addi %mul3A_59, %mul3A_61 : i32
              "tpu.region"() ({
                %run_scoped3A = tpu.sem_alloc : memref<!tpu.dma_semaphore, #tpu.memory_space<semaphore_mem>>
                %dma_start3A = tpu.memref_slice %arg5[%add3A_62] : memref<7684096xf32, #tpu.memory_space<hbm>> -> memref<8192xf32, #tpu.memory_space<hbm>>
                %dma_start3A_64 = tpu.memref_slice %arg5[%add3A_62] : memref<7684096xf32, #tpu.memory_space<hbm>> -> memref<8192xf32, #tpu.memory_space<hbm>>
                tpu.enqueue_dma source(%arg8 : memref<8192xf32, #tpu.memory_space<vmem>>) target(%dma_start3A_64 : memref<8192xf32, #tpu.memory_space<hbm>>) target_semaphore(%run_scoped3A : memref<!tpu.dma_semaphore, #tpu.memory_space<semaphore_mem>>)
                %dma_wait3A = tpu.memref_slice %arg5[%add3A_62] : memref<7684096xf32, #tpu.memory_space<hbm>> -> memref<8192xf32, #tpu.memory_space<hbm>>
                %dma_wait3A_65 = tpu.memref_slice %arg5[%add3A_62] : memref<7684096xf32, #tpu.memory_space<hbm>> -> memref<8192xf32, #tpu.memory_space<hbm>>
                tpu.wait_dma2 semaphore(%run_scoped3A : memref<!tpu.dma_semaphore, #tpu.memory_space<semaphore_mem>>) src(%arg8 : memref<8192xf32, #tpu.memory_space<vmem>>) dst(%dma_wait3A_65 : memref<8192xf32, #tpu.memory_space<hbm>>)
                tpu.yield
              }) : () -> ()
              %scan3A_63 = arith.constant 0 : i32
              scf.yield %scan3A_63 : i32
            }
            %scan3A_53 = arith.constant 2 : i32
          } else {
          }
          %scan3A_46 = arith.constant 0 : i32
          scf.yield %scan3A_46 : i32
        }
        %scan3A_37 = arith.constant 18 : i32
      } else {
      }
      %scan3A_28 = arith.constant 0 : i32
      scf.yield %scan3A_28 : i32
    }
    %scan3A_17 = arith.constant 26 : i32
    return
  }
}

module attributes {stable_mosaic.version = 14 : i64} {
  func.func @_mlp_body(%arg0: i32, %arg1: memref<469x16x128xf32, #tpu.memory_space<vmem>>, %arg2: memref<469x64xf32, #tpu.memory_space<vmem>>, %arg3: memref<1x64xf32, #tpu.memory_space<vmem>>, %arg4: memref<64x32xf32, #tpu.memory_space<vmem>>, %arg5: memref<1x32xf32, #tpu.memory_space<vmem>>, %arg6: memref<32x3xf32, #tpu.memory_space<vmem>>, %arg7: memref<3x1xf32, #tpu.memory_space<vmem>>, %arg8: memref<3x2048xf32, #tpu.memory_space<vmem>>) attributes {dimension_semantics = [#tpu.dimension_semantics<arbitrary>], iteration_bounds = array<i64: 8>, scalar_prefetch = 0 : i64, scratch_operands = 0 : i64, tpu.core_type = #tpu.core_type<tc>, window_params = [{transform_indices = @transform_0, window_bounds = array<i64: 469, 16, 128>}, {pipeline_mode = #tpu.pipeline_mode<synchronous>, transform_indices = @transform_1, window_bounds = array<i64: 469, 64>}, {pipeline_mode = #tpu.pipeline_mode<synchronous>, transform_indices = @transform_2, window_bounds = array<i64: 1, 64>}, {pipeline_mode = #tpu.pipeline_mode<synchronous>, transform_indices = @transform_3, window_bounds = array<i64: 64, 32>}, {pipeline_mode = #tpu.pipeline_mode<synchronous>, transform_indices = @transform_4, window_bounds = array<i64: 1, 32>}, {pipeline_mode = #tpu.pipeline_mode<synchronous>, transform_indices = @transform_5, window_bounds = array<i64: 32, 3>}, {pipeline_mode = #tpu.pipeline_mode<synchronous>, transform_indices = @transform_6, window_bounds = array<i64: 3, 1>}, {transform_indices = @transform_7, window_bounds = array<i64: 3, 2048>}]} {
    %get3A = arith.constant 0 : index
    %get3A_0 = arith.constant 0 : index
    %get3A_1 = arith.constant 0 : index
    %get3A_2 = vector.load %arg1[%get3A, %get3A_0, %get3A_1] : memref<469x16x128xf32, #tpu.memory_space<vmem>>, vector<469x16x128xf32>
    %reshape3A = vector.shape_cast %get3A_2 : vector<469x16x128xf32> to vector<469x2048xf32>
    %get3A_3 = arith.constant 0 : index
    %get3A_4 = arith.constant 0 : index
    %get3A_5 = vector.load %arg2[%get3A_3, %get3A_4] : memref<469x64xf32, #tpu.memory_space<vmem>>, vector<469x64xf32>
    %dot_general3A = arith.constant dense<0.000000e+00> : vector<2048x64xf32>
    %dot_general3A_6 = tpu.matmul %reshape3A, %get3A_5, %dot_general3A {dimension_numbers = #tpu.dot_dimension_numbers<[0], [0], [1], [1], [0, 1, 1, 1], [], []>, transpose_lhs_hint = false} : vector<469x2048xf32>, vector<469x64xf32>, vector<2048x64xf32> -> vector<2048x64xf32>
    %get3A_7 = arith.constant 0 : index
    %get3A_8 = arith.constant 0 : index
    %get3A_9 = vector.load %arg3[%get3A_7, %get3A_8] : memref<1x64xf32, #tpu.memory_space<vmem>>, vector<1x64xf32>
    %add3A = vector.broadcast %get3A_9 : vector<1x64xf32> to vector<2048x64xf32>
    %add3A_10 = arith.addf %dot_general3A_6, %add3A : vector<2048x64xf32>
    %max3A = arith.constant 0.000000e+00 : f32
    %max3A_11 = vector.broadcast %max3A : f32 to vector<2048x64xf32>
    %max3A_12 = arith.maximumf %add3A_10, %max3A_11 : vector<2048x64xf32>
    %get3A_13 = arith.constant 0 : index
    %get3A_14 = arith.constant 0 : index
    %get3A_15 = vector.load %arg4[%get3A_13, %get3A_14] : memref<64x32xf32, #tpu.memory_space<vmem>>, vector<64x32xf32>
    %dot_general3A_16 = arith.constant dense<0.000000e+00> : vector<2048x32xf32>
    %dot_general3A_17 = tpu.matmul %max3A_12, %get3A_15, %dot_general3A_16 {dimension_numbers = #tpu.dot_dimension_numbers<[1], [0], [0], [1], [0, 0, 1, 1], [], []>, transpose_lhs_hint = false} : vector<2048x64xf32>, vector<64x32xf32>, vector<2048x32xf32> -> vector<2048x32xf32>
    %get3A_18 = arith.constant 0 : index
    %get3A_19 = arith.constant 0 : index
    %get3A_20 = vector.load %arg5[%get3A_18, %get3A_19] : memref<1x32xf32, #tpu.memory_space<vmem>>, vector<1x32xf32>
    %add3A_21 = vector.broadcast %get3A_20 : vector<1x32xf32> to vector<2048x32xf32>
    %add3A_22 = arith.addf %dot_general3A_17, %add3A_21 : vector<2048x32xf32>
    %max3A_23 = arith.constant 0.000000e+00 : f32
    %max3A_24 = vector.broadcast %max3A_23 : f32 to vector<2048x32xf32>
    %max3A_25 = arith.maximumf %add3A_22, %max3A_24 : vector<2048x32xf32>
    %get3A_26 = arith.constant 0 : index
    %get3A_27 = arith.constant 0 : index
    %get3A_28 = vector.load %arg6[%get3A_26, %get3A_27] : memref<32x3xf32, #tpu.memory_space<vmem>>, vector<32x3xf32>
    %dot_general3A_29 = arith.constant dense<0.000000e+00> : vector<3x2048xf32>
    %dot_general3A_30 = tpu.matmul %get3A_28, %max3A_25, %dot_general3A_29 {dimension_numbers = #tpu.dot_dimension_numbers<[0], [1], [1], [0], [0, 1, 1, 0], [], []>, transpose_lhs_hint = false} : vector<32x3xf32>, vector<2048x32xf32>, vector<3x2048xf32> -> vector<3x2048xf32>
    %get3A_31 = arith.constant 0 : index
    %get3A_32 = arith.constant 0 : index
    %get3A_33 = vector.load %arg7[%get3A_31, %get3A_32] : memref<3x1xf32, #tpu.memory_space<vmem>>, vector<3x1xf32>
    %add3A_34 = vector.broadcast %get3A_33 : vector<3x1xf32> to vector<3x2048xf32>
    %add3A_35 = arith.addf %dot_general3A_30, %add3A_34 : vector<3x2048xf32>
    %swap3A = arith.constant 0 : index
    %swap3A_36 = arith.constant 0 : index
    %swap3A_37 = vector.load %arg8[%swap3A, %swap3A_36] : memref<3x2048xf32, #tpu.memory_space<vmem>>, vector<3x2048xf32>
    tpu.vector_store %arg8[%swap3A, %swap3A_36], %add3A_35 {strides = array<i32>} : memref<3x2048xf32, #tpu.memory_space<vmem>>, vector<3x2048xf32>,
    return
  }
  func.func @transform_0(%arg0: i32) -> (i32, i32, i32) {
    %c0_i32 = arith.constant 0 : i32
    %c0_i32_0 = arith.constant 0 : i32
    %c0_i32_1 = arith.constant 0 : i32
    return %c0_i32, %arg0, %c0_i32_0 : i32, i32, i32
  }
  func.func @transform_1(%arg0: i32) -> (i32, i32) {
    %c0_i32 = arith.constant 0 : i32
    %c0_i32_0 = arith.constant 0 : i32
    %c0_i32_1 = arith.constant 0 : i32
    return %c0_i32, %c0_i32_0 : i32, i32
  }
  func.func @transform_2(%arg0: i32) -> (i32, i32) {
    %c0_i32 = arith.constant 0 : i32
    %c0_i32_0 = arith.constant 0 : i32
    %c0_i32_1 = arith.constant 0 : i32
    return %c0_i32, %c0_i32_0 : i32, i32
  }
  func.func @transform_3(%arg0: i32) -> (i32, i32) {
    %c0_i32 = arith.constant 0 : i32
    %c0_i32_0 = arith.constant 0 : i32
    %c0_i32_1 = arith.constant 0 : i32
    return %c0_i32, %c0_i32_0 : i32, i32
  }
  func.func @transform_4(%arg0: i32) -> (i32, i32) {
    %c0_i32 = arith.constant 0 : i32
    %c0_i32_0 = arith.constant 0 : i32
    %c0_i32_1 = arith.constant 0 : i32
    return %c0_i32, %c0_i32_0 : i32, i32
  }
  func.func @transform_5(%arg0: i32) -> (i32, i32) {
    %c0_i32 = arith.constant 0 : i32
    %c0_i32_0 = arith.constant 0 : i32
    %c0_i32_1 = arith.constant 0 : i32
    return %c0_i32, %c0_i32_0 : i32, i32
  }
  func.func @transform_6(%arg0: i32) -> (i32, i32) {
    %c0_i32 = arith.constant 0 : i32
    %c0_i32_0 = arith.constant 0 : i32
    %c0_i32_1 = arith.constant 0 : i32
    return %c0_i32, %c0_i32_0 : i32, i32
  }
  func.func @transform_7(%arg0: i32) -> (i32, i32) {
    %c0_i32 = arith.constant 0 : i32
    %c0_i32_0 = arith.constant 0 : i32
    return %c0_i32, %arg0 : i32, i32
  }
}

</mosaic_0001>

<sc_bundles>
// kernel: kernel.4.cloned.1.call-start
scs
__scs_entry_jumppad:
0x0: {  	(pc) =	sbr.rel $0x88, $3  }
0x1: {  	(tag) =	ssettag $0x0;
	lr =	simm.s32 $0x1  }
0x2: {  	[smem:$0x3F98] =	sst lr;
	_ =	strace $0xD0000000  }
0x3: {  	_ = 	snop  }
0x4: {  	_ = 	snop  }
0x5: {  	_ = 	snop  }
0x6: {  	_ = 	snop  }
0x7: {  	_ = 	snop  }
__scs_overlays_trampoline_lowered:
0x8: {  	[smem:$0x3FA7] =	sst s0  }
0x9: {  	[smem:$0x3FA8] =	sst s1  }
0xa: {  	[smem:$0x3FA9] =	sst s2  }
0xb: {  	[smem:$0x3FAA] =	sst s3  }
0xc: {  	[smem:$0x3FAB] =	sst s4  }
0xd: {  	[smem:$0x3FAC] =	sst s5  }
0xe: {  	[smem:$0x3FAD] =	sst s6  }
0xf: {  	[smem:$0x3FAE] =	sst s7  }
0x10: {  	[smem:$0x3FAF] =	sst s8  }
0x11: {  	[smem:$0x3FB0] =	sst s9;
	s0 =	simm.s32 @!p0 $0x0  }
0x12: {  	s1 =	sld [smem:$0x3F96];
	s0 =	simm.s32 @p0 $0x1  }
0x13: {  	[smem:$0x3FB1] =	sst s0;
	s0 =	simm.s32 @!p1 $0x0  }
0x14: {  	s2 =	sld [smem:$0x3F95];
	s0 =	simm.s32 @p1 $0x1  }
0x15: {  	[smem:$0x3FB2] =	sst s0;
	s0 =	simm.s32 @!p2 $0x0  }
0x16: {  	s3 =	sld [smem:$0x3FDB];
	s0 =	simm.s32 @p2 $0x1  }
0x17: {  	s4 =	simm.s32 $0x1BF5;
	[smem:$0x3FB4] =	sst s0  }
0x18: {  	s0 =	sld [smem:$0x3F97];
	_ =	swait.ge [sflag:s4], $0x0  }
0x19: {  	s7 =	sld [smem:$0x3F98]  }
0x1a: {  	s8 =	sadd.s32 $0xFFFFE003, lr  }
0x1b: {  	s9 =	sadd.s32 $0xFFFFFEF7, lr;
	s5 =	simm.s32 $0xFFFFFFFF;
	p2 =	slt.u32 s8, $0xFFFFF086  }
0x1c: {  	p1 =	slt.u32 s9, $0xF7A;
	s5 =	simm.s32 @!p2 $0x0  }
0x1d: {  	s5 =	simm.s32 @p1 $0x1;
	p0 =	seq.s32 s7, s2  }
0x1e: {  	s7 =	smul.u32 @!p0 $0xF7A, s2;
	p2 =	seq.s32 @!p0 s5, $0x0  }
0x1f: {  	s9 =	smul.u32 $0xF7A, s1;
	s8 =	simm.s32 @!p0 $0x1BF5;
	p2 =	por !p2, p0  }
0x20: {  	[sflag:s8] =	ssyncset.s32 @!p0 $0xFFFFF086;
	s6 =	sadd.s32 @!p0 s3, s7;
	s7 =	simm.s32 @!p0 $0x108  }
0x21: {  	s3 =	sadd.s32 s3, s9;
	s6 =	sadd.s32 @!p0 $0x88, s6;
	s7 =	simm.s32 @p2 $0x1082  }
0x22: {  	[simem:s7], [sflag:s8] =	dma.local @!p0 [hbm:s6], $0xF7A  }
0x23: {  	s9 =	sor.u32 $0xD0000000, s2;
	s6 =	simm.s32 $0x108;
	_ =	swait.ge @!p0 [sflag:s8], $0x0  }
0x24: {  	s3 =	sadd.s32 $0x88, s3;
	s6 =	simm.s32 @!p1 $0x1082;
	[sflag:s4] =	ssyncset.s32 $0xFFFFF086  }
0x25: {  	[simem:s6], [sflag:s4] =	dma.local [hbm:s3], $0xF7A  }
0x26: {  	[smem:$0x3F98] =	sst s1;
	(tag) =	ssettag s2;
	_ =	strace s9  }
0x27: {  	s1 =	sld [smem:$0x3FA8]  }
0x28: {  	s2 =	sld [smem:$0x3FA9]  }
0x29: {  	s4 =	sld [smem:$0x3FAB]  }
0x2a: {  	p0 =	seq.s32 s5, $0x0;
	s5 =	sld [smem:$0x3FAC]  }
0x2b: {  	s6 =	sld [smem:$0x3FAD]  }
0x2c: {  	s7 =	sld [smem:$0x3FAE]  }
0x2d: {  	s3 =	simm.s32 $0x108;
	s8 =	sld [smem:$0x3FAF]  }
0x2e: {  	s3 =	simm.s32 @!p0 $0x1082;
	s9 =	sld [smem:$0x3FB0]  }
0x2f: {  	lr =	sadd.s32 s0, s3;
	s0 =	sld [smem:$0x3FA7]  }
0x30: {  	s3 =	sld [smem:$0x3FAA]  }
0x31: {  	[smem:$0x3FB3] =	sst s10  }
0x32: {  	s10 =	sld [smem:$0x3FB1];
	_ =	sdelay $0x3  }
0x33: {  	p0 =	seq.s32 s10, $0x1;
	s10 =	sld [smem:$0x3FB3];
	_ =	sdelay $0x3  }
0x34: {  	[smem:$0x3FB3] =	sst s10  }
0x35: {  	s10 =	sld [smem:$0x3FB2];
	_ =	sdelay $0x3  }
0x36: {  	p1 =	seq.s32 s10, $0x1;
	s10 =	sld [smem:$0x3FB3];
	_ =	sdelay $0x3  }
0x37: {  	[smem:$0x3FB3] =	sst s10  }
0x38: {  	s10 =	sld [smem:$0x3FB4]  }
0x39: {  	_ = 	snop;
	(pc) =	sbr.ind lr, $3  }
0x3a: {  	_ = 	snop  }
0x3b: {  	_ = 	snop  }
0x3c: {  	p2 =	seq.s32 s10, $0x1;
	s10 =	sld [smem:$0x3FB3]  }
0x3d: {  	_ =	shalt  }
0x3e: {  	_ =	shalt  }
0x3f: {  	_ =	shalt  }
0x40: {  	_ =	shalt  }
0x41: {  	_ =	shalt  }
0x42: {  	_ =	shalt  }
0x43: {  	_ =	shalt  }
0x44: {  	_ =	shalt  }
0x45: {  	_ =	shalt  }
0x46: {  	_ =	shalt  }
0x47: {  	_ =	shalt  }
0x48: {  	_ =	shalt  }
0x49: {  	_ =	shalt  }
0x4a: {  	_ =	shalt  }
0x4b: {  	_ =	shalt  }
0x4c: {  	_ =	shalt  }
0x4d: {  	_ =	shalt  }
0x4e: {  	_ =	shalt  }
0x4f: {  	_ =	shalt  }
0x50: {  	_ =	shalt  }
0x51: {  	_ =	shalt  }
0x52: {  	_ =	shalt  }
0x53: {  	_ =	shalt  }
0x54: {  	_ =	shalt  }
0x55: {  	_ =	shalt  }
0x56: {  	_ =	shalt  }
0x57: {  	_ =	shalt  }
0x58: {  	_ =	shalt  }
0x59: {  	_ =	shalt  }
0x5a: {  	_ =	shalt  }
0x5b: {  	_ =	shalt  }
0x5c: {  	_ =	shalt  }
0x5d: {  	_ =	shalt  }
0x5e: {  	_ =	shalt  }
0x5f: {  	_ =	shalt  }
0x60: {  	_ =	shalt  }
0x61: {  	_ =	shalt  }
0x62: {  	_ =	shalt  }
0x63: {  	_ =	shalt  }
0x64: {  	_ =	shalt  }
0x65: {  	_ =	shalt  }
0x66: {  	_ =	shalt  }
0x67: {  	_ =	shalt  }
0x68: {  	_ =	shalt  }
0x69: {  	_ =	shalt  }
0x6a: {  	_ =	shalt  }
0x6b: {  	_ =	shalt  }
0x6c: {  	_ =	shalt  }
0x6d: {  	_ =	shalt  }
0x6e: {  	_ =	shalt  }
0x6f: {  	_ =	shalt  }
0x70: {  	_ =	shalt  }
0x71: {  	_ =	shalt  }
0x72: {  	_ =	shalt  }
0x73: {  	_ =	shalt  }
0x74: {  	_ =	shalt  }
0x75: {  	_ =	shalt  }
0x76: {  	_ =	shalt  }
0x77: {  	_ =	shalt  }
0x78: {  	_ =	shalt  }
0x79: {  	_ =	shalt  }
0x7a: {  	_ =	shalt  }
0x7b: {  	_ =	shalt  }
0x7c: {  	_ =	shalt  }
0x7d: {  	_ =	shalt  }
0x7e: {  	_ =	shalt  }
0x7f: {  	_ =	shalt  }
0x80: {  	_ =	shalt  }
0x81: {  	_ =	shalt  }
0x82: {  	_ =	shalt  }
0x83: {  	_ =	shalt  }
0x84: {  	_ =	shalt  }
0x85: {  	_ =	shalt  }
0x86: {  	_ =	shalt  }
0x87: {  	_ =	shalt  }
.Lfunc_end0:
.L_simem_size_0:
called_computation_lowered:
.L_overlay_start_0:
0x88: {  	s2 =	sld [smem:$0x3FD9]  }
0x89: {  	s3 =	sld [smem:$0x3FFE];
	_ =	sdelay $0x1  }
0x8a: {  	s1 =	srdreg.scid  }
0x8b: {  	s0 =	sand.u32 $0x1, s1  }
0x8c: {  	s17 =	sshll.u32 s0, $0xA;
	s2 =	sadd.s32 s3, s2  }
0x8d: {  	s2 =	sadd.s32 s2, s17  }
0x8e: {  	[smem:$0x3FBF] =	sst s2  }
0x8f: {  	_ = 	snop  }
0x90: {  	s2 =	sld [smem:$0x3FC9]  }
0x91: {  	s18 =	sld [smem:$0x3FC7];
	(tm) =	ssettm $0x1  }
0x92: {  	s4 =	sld [smem:$0x3FFB];
	_ =	sdelay $0x3  }
0x93: {  	_ =	strace s4  }
0x94: {  	s4 =	sld [smem:$0x3FFC];
	_ =	sdelay $0x3  }
0x95: {  	_ =	strace s4  }
0x96: {  	s4 =	sld [smem:$0x3FFD];
	_ =	sdelay $0x3  }
0x97: {  	_ =	strace s4  }
0x98: {  	_ =	strace $0x8FFFFFFF  }
0x99: {  	s19 =	sld [smem:$0x3FDB];
	_ =	sdelay $0x1  }
0x9a: {  	s5 =	simm.s32 $_scs_section_size  }
0x9b: {  	s6 =	simm.s32 $_size__tile_overlayer_lowered;
	s7 =	simm.s32 $_tile_overlayer_lowered  }
0x9c: {  	s22 =	simm.s32 $0x1BFF;
	s21 =	sshll.u32 s7, $0x1;
	s4 =	sadd.s32 s5, s19  }
0x9d: {  	s8 =	simm.s32 $0x0;
	s20 =	sshll.u32 s6, $0x1;
	s6 =	sadd.s32 s21, s4  }
0x9e: {  	[timem:s8], [sflag:s22] =	dma.local [hbm:s6], s20  }
0x9f: {  	_ =	swait.ge [sflag:s22], s20  }
0xa0: {  	s5 =	ssub.s32 $0x0, s20;
	[sflag:s22] =	ssyncset.done $0x0  }
0xa1: {  	[sflag:s22] =	ssyncadd.s32 s5;
	_ =	sdelay $0x1  }
0xa2: {  	s23 =	simm.s32 $0x1B8B  }
0xa3: {  	_ =	swait.ge [sflag:s23], $0x1  }
0xa4: {  	[sflag:s23] =	ssyncset.done $0x0  }
0xa5: {  	s25 =	simm.s32 $0x1B8E;
	s24 =	sld [smem:$0x3FFE];
	[sflag:s23] =	ssyncadd.s32 $0xFFFFFFFF  }
0xa6: {  	s26 =	simm.s32 $execute0_lowered;
	[smem:$0x3FD2] =	sst s25  }
0xa7: {  	s6 =	sshll.u32 s26, $0x1;
	_ =	strace $0x80000046;
	[dreg:$0x1] =	wrdreg $0xFFFFFFFF  }
0xa8: {  	s28 =	simm.s32 $_size_execute0_lowered;
	s4 =	sadd.s32 s4, s6;
	[dreg:$0x0] =	wrdreg $0x0  }
0xa9: {  	s6 =	sshll.u32 s28, $0x1;
	[dreg:$0x2] =	wrdreg s4  }
0xaa: {  	[dreg:$0x3] =	wrdreg s6  }
0xab: {  	[dreg:$0x4] =	wrdreg $0xC0  }
0xac: {  	_ =	task [dreg:s8], $0x5FFFF  }
0xad: {  	[dreg:$0x1] =	wrdreg $0xFFFFFFFF  }
0xae: {  	[dreg:$0x0] =	wrdreg $0x60  }
0xaf: {  	[dreg:$0x2] =	wrdreg s18  }
0xb0: {  	[dreg:$0x3] =	wrdreg s24  }
0xb1: {  	[dreg:$0x4] =	wrdreg s2  }
0xb2: {  	[dreg:$0x5] =	wrdreg $0x9  }
0xb3: {  	_ =	task.clear_ibuf [dreg:s8], $0x6FFFF;
	_ =	strace $0x90000046  }
0xb4: {  	s29 =	simm.s32 $0x9;
	_ =	strace $0x80000048  }
0xb5: {  	_ =	swait.ge [sflag:s29], $0x1  }
0xb6: {  	[sflag:s29] =	ssyncadd.s32 $0xFFFFFFFF  }
0xb7: {  	_ =	strace $0x90000048  }
0xb8: {  	_ =	sfence  }
0xb9: {  	s30 =	sld [smem:$0x0];
	_ =	sdelay $0x2  }
0xba: {  	s31 =	sshll.u32 s1, $0xD;
	s1 =	sshrl.u32 s1, $0x2  }
0xbb: {  	s3 =	sand.u32 $0x4000, s31;
	s1 =	sadd.s32 s1, s30  }
0xbc: {  	s0 =	sor.u32 s3, s0;
	s1 =	sshll.u32 s1, $0x11  }
0xbd: {  	s0 =	sor.u32 s1, s0  }
0xbe: {  	s0 =	sadd.s32 $0x8F2B, s0  }
0xbf: {  	[sflag:s0] =	ssyncadd.remote.s32 $0x1  }
0xc0: {  	_ =	sfence.sel $0xFFFF  }
0xc1: {  	[dreg:$0x0] =	wrdreg $0xFFFFFFFF;
	(pc) =	sbr.abs _section_cstart, $3  }
0xc2: {  	[dreg:$0x1] =	wrdreg $0xFFFFFFFF  }
0xc3: {  	_ =	task.clear_ibuf [dreg:s8], $0x2FFFF;
	_ =	strace $0x9FFFFFFF  }
0xc4: {  	(tm) =	ssettm $0x7FFFFFFF  }
0xc5: {  	_ =	shalt  }
tec
execute0_lowered:
.L_overlay_start_1:
0x0: {  	(tag) =	ssettag $0x1  }
0x1: {  	s1 =	rddreg [dreg:$0x0]  }
0x2: {  	s9 =	rddreg [dreg:$0x1]  }
0x3: {  	s2 =	rddreg [dreg:$0x2]  }
0x4: {  	s0 =	rddreg [dreg:$0x3];
	s4 =	simm.s32 $0x0;
	s5 =	srdreg.scid  }
0x5: {  	s3 =	stileid.u32;
	s13 =	simm.s32 $0xF;
	s14 =	simm.s32 $0x80  }
0x6: {  	s15 =	simm.s32 $0x400;
	s16 =	simm.s32 $0x1C700;
	s17 =	simm.s32 $0x0  }
0x7: {  	[smem:$0x7FF] =	sst s4;
	s6 =	sand.u32 $0x1, s5;
	s7 =	sshll.u32 s3, $0x1  }
0x8: {  	s5 =	sadd.s32 $0x1400, s9;
	p0 =	slt.u32 s3, $0xA;
	_ =	strace $0x80000047  }
0x9: {  	s8 =	ssub.s32 $0x2, s6;
	s10 =	sor.u32 s6, s7;
	s6 =	sadd.s32 $0xE400, s9  }
.Ltmp0:
0xa: {  	s13 =	simm.s32 @!p0 $0xE;
	s9 =	sadd.s32 $0xF8400, s9;
	(pc) =	sbr.rel .LBB2_1-.Ltmp0, $4  }
0xb: {  	s11 =	sshrl.u32 s8, $0x1;
	s7 =	smul.u32 $0xE, s10;
	p0 =	sne.s32 s10, $0x1F  }
0xc: {  	s12 =	smin.u32 s10, $0x14;
	s31 =	ssub.s32 s8, s11;
	s11 =	sshll.u32 @!p0 s3, $0x6  }
0xd: {  	s7 =	sadd.s32 s12, s7;
	s10 =	smax.u32 s31, $0x1;
	s11 =	sor.u32 @!p0 $0x1C01, s11  }
0xe: {  	s12 =	simm.s32 $0x18700;
	s8 =	sadd.s32 s7, s13;
	s13 =	simm.s32 $0x1  }
.LBB2_12:
0xf: {  	s17 =	sadd.s32 $0x1, s17  }
0x10: {  	p1 =	sne.s32 s17, s10  }
.Ltmp1:
0x11: {  	_ = 	snop;
	(pc) =	sbr.rel @!p1 .LBB2_13-.Ltmp1, $1  }
0x12: {  	_ =	sdelay $0x3  }
.LBB2_1:
0x13: {  	[hbm:s9], [sflag:s11] =	dma.local @!p0 [hbm:s2], $0x800  }
.Ltmp2:
0x14: {  	_ = 	snop;
	(pc) =	sbr.rel .LBB2_2-.Ltmp2, $4  }
0x15: {  	s18 =	simm.s32 @!p0 $0x1  }
0x16: {  	_ =	swait.ge @!p0 [sflag:s18], $0x800  }
0x17: {  	[sflag:s18] =	ssyncset.done @!p0 $0x0  }
0x18: {  	[sflag:s18] =	ssyncadd.s32 @!p0 $0xFFFFF800;
	s18 =	simm.s32 $0x0  }
.LBB2_11:
0x19: {  	s18 =	sadd.s32 $0x1, s18  }
0x1a: {  	p1 =	sne.s32 s18, $0x1A  }
.Ltmp3:
0x1b: {  	_ = 	snop;
	(pc) =	sbr.rel @!p1 .LBB2_12-.Ltmp3, $1  }
0x1c: {  	_ =	sdelay $0x3  }
.LBB2_2:
0x1d: {  	s19 =	smul.u32 $0x12, s18;
	_ =	sdelay $0x1  }
0x1e: {  	p1 =	sge.u32 s19, s8;
	s20 =	sadd.s32 $0x12, s19  }
0x1f: {  	p2 =	sle.u32 @!p1 s20, s7  }
0x20: {  	p1 =	por p1, p2  }
.Ltmp4:
0x21: {  	_ = 	snop;
	(pc) =	sbr.rel @p1 .LBB2_11-.Ltmp4, $1  }
0x22: {  	_ =	sdelay $0x3  }
0x23: {  	s20 =	sshll.u32 s18, $0xB;
	s31 =	sshrl.u32 s18, $0x3  }
.Ltmp5:
0x24: {  	s21 =	sadd.s32 s5, s20;
	s20 =	simm.s32 $0x0;
	(pc) =	sbr.rel .LBB2_4-.Ltmp5, $4  }
0x25: {  	[tilespmem:s12], [sflag:$0x1] =	stream.linear.gather [hbm4b:s21+s20], $0x4000, $0x38;
	[tilespmem:$0x1E700] =	vst v63  }
0x26: {  	s22 =	sshll.u32 s18, $0x7;
	s21 =	smul.u32 $0xC3800, s31;
	_ =	swait.ge [sflag:s13], $0x4000  }
0x27: {  	s22 =	sand.u32 $0x380, s22;
	[sflag:s13] =	ssyncset.done $0x0  }
0x28: {  	s21 =	sor.u32 s22, s21;
	[sflag:s13] =	ssyncadd.s32 $0xFFFFC000  }
.LBB2_10:
0x29: {  	s20 =	sadd.s32 $0x1, s20  }
0x2a: {  	p1 =	sne.s32 s20, $0x12  }
.Ltmp6:
0x2b: {  	_ = 	snop;
	(pc) =	sbr.rel @!p1 .LBB2_11-.Ltmp6, $1  }
0x2c: {  	_ =	sdelay $0x3  }
.LBB2_4:
0x2d: {  	s22 =	sadd.s32 s19, s20  }
0x2e: {  	p1 =	slt.u32 s22, s7  }
0x2f: {  	p2 =	sge.u32 @!p1 s22, s8  }
0x30: {  	p1 =	por p1, p2  }
.Ltmp7:
0x31: {  	_ = 	snop;
	(pc) =	sbr.rel @p1 .LBB2_10-.Ltmp7, $1  }
0x32: {  	_ =	sdelay $0x3  }
0x33: {  	s23 =	smul.u32 $0x30E000, s20;
	_ =	sdelay $0x1  }
0x34: {  	s23 =	sadd.s32 s21, s23  }
0x35: {  	s23 =	sshrl.u32 s23, $0x3  }
0x36: {  	s23 =	sadd.s32 s1, s23  }
0x37: {  	[tilespmem:s4], [sflag:$0x1] =	stream.strided.gather [hbm4b:s23+s14], $0x18700, s15, s14, $0x38;
	[tilespmem:$0x1E700] =	vst v63  }
0x38: {  	_ =	swait.ge [sflag:s13], $0x18700  }
0x39: {  	[sflag:s13] =	ssyncset.done $0x0  }
0x3a: {  	s31 =	simm.s32 $0x18740;
	[sflag:s13] =	ssyncadd.s32 $0xFFFE7900  }
0x3b: {  	v0 =	vld [tilespmem:s31+$0x30]  }
0x3c: {  	v1 =	vld [tilespmem:s31+$0xFFFFFFD0]  }
0x3d: {  	v2 =	vld [tilespmem:s31+$0xFFFFFFE0]  }
0x3e: {  	v3 =	vld [tilespmem:s31+$0xFFFFFFF0]  }
0x3f: {  	v5 =	vld [tilespmem:s31+$0x0]  }
0x40: {  	v6 =	vld [tilespmem:s31+$0x10]  }
0x41: {  	v7 =	vld [tilespmem:s31+$0x20]  }
0x42: {  	v8 =	vld [tilespmem:s31+$0xFFFFFFC0]  }
0x43: {  	v9 =	vld.idx.msk [tilespmem:v0+s4+$0x0], $0xffff  }
0x44: {  	v10 =	vld.idx.msk [tilespmem:v1+s4+$0x0], $0xffff  }
0x45: {  	v4 =	vld.idx.msk [tilespmem:v2+s4+$0x0], $0xffff  }
0x46: {  	v2 =	vld.idx.msk [tilespmem:v3+s4+$0x0], $0xffff  }
0x47: {  	v0 =	vld.idx.msk [tilespmem:v5+s4+$0x0], $0xffff  }
0x48: {  	s23 =	simm.s32 $0x1C740;
	v1 =	vld.idx.msk [tilespmem:v6+s4+$0x0], $0xffff  }
0x49: {  	s22 =	sshll.u32 s22, $0xB;
	v3 =	vld.idx.msk [tilespmem:v7+s4+$0x0], $0xffff;
	[tilespmem:s23+$0x30] =	vst v9  }
0x4a: {  	s24 =	simm.s32 $0x0;
	s25 =	simm.s32 $0x187C0;
	s22 =	sadd.s32 s6, s22;
	v5 =	vld.idx.msk [tilespmem:v8+s4+$0x0], $0xffff;
	[tilespmem:s23+$0xFFFFFFD0] =	vst v10  }
.LBB2_6:
0x4b: {  	v6 =	vld [tilespmem:s25+$0x30];
	s24 =	sadd.s32 $0x80, s24;
	[tilespmem:s23+$0xFFFFFFE0] =	vst v4  }
0x4c: {  	v4 =	vld [tilespmem:s25+$0xFFFFFFD0];
	p1 =	slt.u32 s24, $0x1F80;
	[tilespmem:s23+$0xFFFFFFF0] =	vst v2  }
0x4d: {  	v2 =	vld [tilespmem:s25+$0xFFFFFFE0];
	[tilespmem:s23+$0x0] =	vst v0  }
0x4e: {  	v0 =	vld [tilespmem:s25+$0xFFFFFFF0];
	[tilespmem:s23+$0x10] =	vst v1  }
0x4f: {  	v1 =	vld [tilespmem:s25+$0x0];
	[tilespmem:s23+$0x20] =	vst v3  }
0x50: {  	v3 =	vld [tilespmem:s25+$0x10];
	[tilespmem:s23+$0xFFFFFFC0] =	vst v5  }
0x51: {  	v5 =	vld [tilespmem:s25+$0x20]  }
0x52: {  	v7 =	vld [tilespmem:s25+$0xFFFFFFC0]  }
0x53: {  	v6 =	vld.idx.msk [tilespmem:v6+s4+$0x0], $0xffff  }
0x54: {  	v8 =	vld.idx.msk [tilespmem:v4+s4+$0x0], $0xffff  }
0x55: {  	v4 =	vld.idx.msk [tilespmem:v2+s4+$0x0], $0xffff  }
.Ltmp8:
0x56: {  	v2 =	vld.idx.msk [tilespmem:v0+s4+$0x0], $0xffff;
	(pc) =	sbr.rel @p1 .LBB2_6-.Ltmp8, $4  }
0x57: {  	v0 =	vld.idx.msk [tilespmem:v1+s4+$0x0], $0xffff  }
0x58: {  	s23 =	sadd.s32 $0x80, s23;
	v1 =	vld.idx.msk [tilespmem:v3+s4+$0x0], $0xffff  }
0x59: {  	v3 =	vld.idx.msk [tilespmem:v5+s4+$0x0], $0xffff;
	[tilespmem:s23+$0x30] =	vst v6  }
0x5a: {  	s25 =	sadd.s32 $0x80, s25;
	v5 =	vld.idx.msk [tilespmem:v7+s4+$0x0], $0xffff;
	[tilespmem:s23+$0xFFFFFFD0] =	vst v8  }
0x5b: {  	[tilespmem:s23+$0xFFFFFFE0] =	vst v4  }
0x5c: {  	[tilespmem:s23+$0xFFFFFFF0] =	vst v2  }
0x5d: {  	[tilespmem:s23+$0x0] =	vst v0  }
0x5e: {  	[tilespmem:s23+$0x10] =	vst v1  }
0x5f: {  	[tilespmem:s23+$0x20] =	vst v3  }
0x60: {  	[tilespmem:s23+$0xFFFFFFC0] =	vst v5  }
0x61: {  	[hbm4b:s22+s4] =	stream.linear.scatter [tilespmem:s16], [sflag:$0x1], $0x2000, $0x38;
	[tilespmem:$0x1E700] =	vst v63  }
0x62: {  	_ =	swait.ge [sflag:s13], $0x2000  }
0x63: {  	[sflag:s13] =	ssyncset.done $0x0  }
0x64: {  	s31 =	simm.s32 $0x1A770;
	[sflag:s13] =	ssyncadd.s32 $0xFFFFE000  }
0x65: {  	v0 =	vld [tilespmem:s31+$0x0]  }
0x66: {  	v1 =	vld [tilespmem:s31+$0xFFFFFFA0]  }
0x67: {  	v2 =	vld [tilespmem:s31+$0xFFFFFFB0]  }
0x68: {  	v3 =	vld [tilespmem:s31+$0xFFFFFFC0]  }
0x69: {  	v4 =	vld [tilespmem:s31+$0xFFFFFFD0]  }
0x6a: {  	v6 =	vld [tilespmem:s31+$0xFFFFFFE0]  }
0x6b: {  	v7 =	vld [tilespmem:s31+$0xFFFFFFF0]  }
0x6c: {  	v8 =	vld [tilespmem:s31+$0xFFFFFF90]  }
0x6d: {  	v9 =	vld.idx.msk [tilespmem:v0+s4+$0x0], $0xffff  }
0x6e: {  	v10 =	vld.idx.msk [tilespmem:v1+s4+$0x0], $0xffff  }
0x6f: {  	v5 =	vld.idx.msk [tilespmem:v2+s4+$0x0], $0xffff  }
0x70: {  	v3 =	vld.idx.msk [tilespmem:v3+s4+$0x0], $0xffff  }
0x71: {  	v0 =	vld.idx.msk [tilespmem:v4+s4+$0x0], $0xffff  }
0x72: {  	s23 =	simm.s32 $0x1C740;
	v1 =	vld.idx.msk [tilespmem:v6+s4+$0x0], $0xffff  }
0x73: {  	v2 =	vld.idx.msk [tilespmem:v7+s4+$0x0], $0xffff;
	[tilespmem:s23+$0x30] =	vst v9  }
0x74: {  	s24 =	simm.s32 $0x0;
	s25 =	simm.s32 $0x1A7F0;
	v4 =	vld.idx.msk [tilespmem:v8+s4+$0x0], $0xffff;
	[tilespmem:s23+$0xFFFFFFD0] =	vst v10  }
.LBB2_8:
0x75: {  	v6 =	vld [tilespmem:s25+$0x0];
	s24 =	sadd.s32 $0x80, s24;
	[tilespmem:s23+$0xFFFFFFE0] =	vst v5  }
0x76: {  	v5 =	vld [tilespmem:s25+$0xFFFFFFA0];
	p1 =	slt.u32 s24, $0x1F80;
	[tilespmem:s23+$0xFFFFFFF0] =	vst v3  }
0x77: {  	v3 =	vld [tilespmem:s25+$0xFFFFFFB0];
	[tilespmem:s23+$0x0] =	vst v0  }
0x78: {  	v0 =	vld [tilespmem:s25+$0xFFFFFFC0];
	[tilespmem:s23+$0x10] =	vst v1  }
0x79: {  	v1 =	vld [tilespmem:s25+$0xFFFFFFD0];
	[tilespmem:s23+$0x20] =	vst v2  }
0x7a: {  	v2 =	vld [tilespmem:s25+$0xFFFFFFE0];
	[tilespmem:s23+$0xFFFFFFC0] =	vst v4  }
0x7b: {  	v4 =	vld [tilespmem:s25+$0xFFFFFFF0]  }
0x7c: {  	v7 =	vld [tilespmem:s25+$0xFFFFFF90]  }
0x7d: {  	v6 =	vld.idx.msk [tilespmem:v6+s4+$0x0], $0xffff  }
0x7e: {  	v8 =	vld.idx.msk [tilespmem:v5+s4+$0x0], $0xffff  }
0x7f: {  	v5 =	vld.idx.msk [tilespmem:v3+s4+$0x0], $0xffff  }
.Ltmp9:
0x80: {  	v3 =	vld.idx.msk [tilespmem:v0+s4+$0x0], $0xffff;
	(pc) =	sbr.rel @p1 .LBB2_8-.Ltmp9, $4  }
0x81: {  	v0 =	vld.idx.msk [tilespmem:v1+s4+$0x0], $0xffff  }
0x82: {  	s23 =	sadd.s32 $0x80, s23;
	v1 =	vld.idx.msk [tilespmem:v2+s4+$0x0], $0xffff  }
0x83: {  	v2 =	vld.idx.msk [tilespmem:v4+s4+$0x0], $0xffff;
	[tilespmem:s23+$0x30] =	vst v6  }
0x84: {  	s25 =	sadd.s32 $0x80, s25;
	v4 =	vld.idx.msk [tilespmem:v7+s4+$0x0], $0xffff;
	[tilespmem:s23+$0xFFFFFFD0] =	vst v8  }
0x85: {  	[tilespmem:s23+$0xFFFFFFE0] =	vst v5  }
0x86: {  	[tilespmem:s23+$0xFFFFFFF0] =	vst v3  }
0x87: {  	[tilespmem:s23+$0x0] =	vst v0  }
0x88: {  	[tilespmem:s23+$0x10] =	vst v1  }
0x89: {  	[tilespmem:s23+$0x20] =	vst v2  }
.Ltmp10:
0x8a: {  	s22 =	sadd.s32 $0x400, s22;
	[tilespmem:s23+$0xFFFFFFC0] =	vst v4;
	(pc) =	sbr.rel .LBB2_10-.Ltmp10, $4  }
0x8b: {  	[hbm4b:s22+s4] =	stream.linear.scatter [tilespmem:s16], [sflag:$0x1], $0x2000, $0x38;
	[tilespmem:$0x1E700] =	vst v63  }
0x8c: {  	_ =	swait.ge [sflag:s13], $0x2000  }
0x8d: {  	[sflag:s13] =	ssyncset.done $0x0  }
0x8e: {  	[sflag:s13] =	ssyncadd.s32 $0xFFFFE000  }
.LBB2_13:
0x8f: {  	_ =	sfence.sel $0x180000  }
0x90: {  	[bflag:$0x0] =	sbarrier.arrive $0xFFFF  }
0x91: {  	p0 =	sne.s32 s3, $0x0;
	_ =	strace $0x90000047  }
0x92: {  	s0 =	sadd.s32 @!p0 $0x100000, s0;
	[bflag:$0x2] =	sbarrier.arrive $0xFFFF  }
0x93: {  	[sflag:s0] =	ssyncadd.tile.s32 @!p0 $0x1;
	_ =	shalt  }
.Lfunc_end2:
_tile_overlayer_lowered:
.L_overlay_start_2:
0x94: {  	(tag) =	ssettag $0x2  }
0x95: {  	s0 =	rddreg [dreg:$0x0];
	s2 =	stileid.u32  }
0x96: {  	s1 =	rddreg [dreg:$0x1];
	p0 =	sne.s32 s2, $0x0  }
0x97: {  	s3 =	rddreg [dreg:$0x2];
	[bflag:$0x3] =	sbarrier.arrive $0xFFFF;
	s2 =	simm.s32 @!p0 $0x1C01  }
0x98: {  	[timem:s3], [sflag:s2] =	dma.local @!p0 [hbm:s0], s1  }
0x99: {  	s0 =	simm.s32 @!p0 $0x1  }
0x9a: {  	_ =	swait.ge @!p0 [sflag:s0], s1  }
0x9b: {  	s1 =	ssub.s32 @!p0 $0x0, s1;
	[sflag:s0] =	ssyncset.done @!p0 $0x0  }
0x9c: {  	[sflag:s0] =	ssyncadd.s32 @!p0 s1  }
0x9d: {  	[bflag:$0x3] =	sbarrier.arrive $0xFFFF  }
0x9e: {  	_ =	shalt  }

</sc_bundles>
